<compile_context>
chip_gen: v7x
topology: tpu7x:2x2x1
jax: 0.10.2.dev20260603
libtpu: 0.0.44.dev20260713+nightly
codegen_flags: <defaults>
</compile_context>

<pallas_src>
import functools

import jax
import jax.numpy as jnp
from jax import lax
from jax.experimental import pallas as pl
from jax.experimental.pallas import tpu as pltpu
from jax.experimental.pallas import tpu_sc as plsc

_EMBED = 128
_NSUB = 16
_CHUNK = 80


def _gather_side(table, idx_hbm, out_hbm, idx_v, buf0, buf1,
                 gs0, gs1, ws0, ws1, sid, n_per_w):
    base = sid * n_per_w
    n_chunks = n_per_w // _CHUNK
    pltpu.sync_copy(idx_hbm.at[pl.ds(base, n_per_w)], idx_v)

    pltpu.async_copy(table.at[idx_v.at[pl.ds(0, _CHUNK)]], buf0, gs0)
    pltpu.async_copy(table.at[idx_v.at[pl.ds(_CHUNK, _CHUNK)]], buf1, gs1)

    def body(i, carry):
        j = 2 * i

        pltpu.make_async_copy(
            table.at[idx_v.at[pl.ds(j * _CHUNK, _CHUNK)]], buf0, gs0).wait()
        pltpu.async_copy(
            buf0, out_hbm.at[pl.ds(base + j * _CHUNK, _CHUNK)], ws0)

        pltpu.make_async_copy(
            table.at[idx_v.at[pl.ds((j + 1) * _CHUNK, _CHUNK)]],
            buf1, gs1).wait()
        pltpu.async_copy(
            buf1, out_hbm.at[pl.ds(base + (j + 1) * _CHUNK, _CHUNK)], ws1)

        @pl.when(j + 2 < n_chunks)
        def _():
            pltpu.make_async_copy(
                buf0, out_hbm.at[pl.ds(base, _CHUNK)], ws0).wait()
            pltpu.async_copy(
                table.at[idx_v.at[pl.ds((j + 2) * _CHUNK, _CHUNK)]],
                buf0, gs0)

        @pl.when(j + 3 < n_chunks)
        def _():
            pltpu.make_async_copy(
                buf1, out_hbm.at[pl.ds(base, _CHUNK)], ws1).wait()
            pltpu.async_copy(
                table.at[idx_v.at[pl.ds((j + 3) * _CHUNK, _CHUNK)]],
                buf1, gs1)

        return carry

    lax.fori_loop(0, n_chunks // 2, body, 0)

    pltpu.make_async_copy(buf0, out_hbm.at[pl.ds(base, _CHUNK)], ws0).wait()
    pltpu.make_async_copy(buf1, out_hbm.at[pl.ds(base, _CHUNK)], ws1).wait()


@functools.lru_cache(maxsize=None)
def _build(n_rows):
    assert n_rows % (_NSUB * _CHUNK * 2) == 0
    n_per_w = n_rows // _NSUB
    mesh = plsc.VectorSubcoreMesh(core_axis_name="c", subcore_axis_name="s")

    @functools.partial(
        pl.kernel,
        out_type=[
            jax.ShapeDtypeStruct((n_rows, _EMBED), jnp.float32),
            jax.ShapeDtypeStruct((n_rows, _EMBED), jnp.float32),
        ],
        scratch_types=[
            pltpu.VMEM((n_per_w,), jnp.int32),
            pltpu.VMEM((_CHUNK, _EMBED), jnp.float32),
            pltpu.VMEM((_CHUNK, _EMBED), jnp.float32),
            pltpu.SemaphoreType.DMA,
            pltpu.SemaphoreType.DMA,
            pltpu.SemaphoreType.DMA,
            pltpu.SemaphoreType.DMA,
        ],
        mesh=mesh,
    )
    def emb_kernel(src_table, tgt_table, src_idx, tgt_idx,
                   src_out, tgt_out, idx_v, buf0, buf1, gs0, gs1, ws0, ws1):
        cid = lax.axis_index("c")
        sid = lax.axis_index("s")

        @pl.when(cid == 0)
        def _():
            _gather_side(src_table, src_idx, src_out, idx_v, buf0, buf1,
                         gs0, gs1, ws0, ws1, sid, n_per_w)

        @pl.when(cid == 1)
        def _():
            _gather_side(tgt_table, tgt_idx, tgt_out, idx_v, buf0, buf1,
                         gs0, gs1, ws0, ws1, sid, n_per_w)

    return emb_kernel


def kernel(src_table, tgt_table, src_tokens, tgt_tokens):
    b, s = src_tokens.shape
    n_rows = b * s
    src_idx = src_tokens.astype(jnp.int32).T.reshape(-1)
    tgt_idx = tgt_tokens.astype(jnp.int32).T.reshape(-1)
    src_out, tgt_out = _build(n_rows)(src_table, tgt_table, src_idx, tgt_idx)
    return (
        src_out.reshape(s, b, _EMBED).transpose(1, 0, 2),
        tgt_out.reshape(s, b, _EMBED).transpose(1, 0, 2),
    )

# --- scband reference (transcript-rebuilt; emitter-appended) ---
"""Pipeline reference for scband-model-embeddings-8315056685259 (READ-ONLY COPY).

The authoritative reference and input builder live on the scoring server;
editing this copy changes nothing except your own understanding.
"""

import jax, jax.numpy as jnp
import numpy as np

VOCAB_SRC = 100000
VOCAB_TGT = 100000
EMBED = 128
PAD_IDX = 0


def setup_inputs(seed: int = 0) -> dict:
    key = jax.random.key(seed)
    k1, k2, k3, k4 = jax.random.split(key, 4)
    src_table = jax.random.normal(k1, (VOCAB_SRC, EMBED), dtype=jnp.float32)
    tgt_table = jax.random.normal(k2, (VOCAB_TGT, EMBED), dtype=jnp.float32)
    # padding_idx rows are zero-initialized in torch nn.Embedding with padding_idx
    src_table = src_table.at[PAD_IDX].set(0.0)
    tgt_table = tgt_table.at[PAD_IDX].set(0.0)
    src_tokens = jax.random.randint(k3, (1024, 50), 0, VOCAB_SRC, dtype=jnp.int64)
    tgt_tokens = jax.random.randint(k4, (1024, 50), 0, VOCAB_TGT, dtype=jnp.int64)
    return {
        "src_table": src_table,
        "tgt_table": tgt_table,
        "src_tokens": src_tokens,
        "tgt_tokens": tgt_tokens,
    }


def reference(src_table, tgt_table, src_tokens, tgt_tokens):
    # Faithful translation: two nn.Embedding lookups (src and tgt)
    src_emb = jnp.take(src_table, src_tokens, axis=0)
    tgt_emb = jnp.take(tgt_table, tgt_tokens, axis=0)
    return (src_emb, tgt_emb)

if __name__ == "__main__":
    import jax
    _d = setup_inputs()
    print(jax.jit(kernel)(*tuple(_d.values())))

</pallas_src>

<mosaic_0001>
#map = affine_map<(d0, d1) -> (0, 0)>
#map1 = affine_map<(d0, d1) -> (0)>
module attributes {stable_mosaic.version = 14 : i64} {
  func.func @emb_kernel(%arg0: i32, %arg1: i32, %arg2: memref<100000x128xf32, #tpu.memory_space<hbm>>, %arg3: memref<100000x128xf32, #tpu.memory_space<hbm>>, %arg4: memref<51200xi32, #tpu.memory_space<hbm>>, %arg5: memref<51200xi32, #tpu.memory_space<hbm>>, %arg6: memref<51200x128xf32, #tpu.memory_space<hbm>>, %arg7: memref<51200x128xf32, #tpu.memory_space<hbm>>, %arg8: memref<3200xi32, #tpu.memory_space<vmem>>, %arg9: memref<80x128xf32, #tpu.memory_space<vmem>>, %arg10: memref<80x128xf32, #tpu.memory_space<vmem>>, %arg11: memref<!tpu.dma_semaphore, #tpu.memory_space<semaphore_mem>>, %arg12: memref<!tpu.dma_semaphore, #tpu.memory_space<semaphore_mem>>, %arg13: memref<!tpu.dma_semaphore, #tpu.memory_space<semaphore_mem>>, %arg14: memref<!tpu.dma_semaphore, #tpu.memory_space<semaphore_mem>>) attributes {dimension_semantics = [#tpu.dimension_semantics<core_parallel>, #tpu.dimension_semantics<subcore_parallel>], iteration_bounds = array<i64: 2, 16>, scalar_prefetch = 0 : i64, scratch_operands = 7 : i64, tpu.core_type = #tpu.core_type<sc_vector_subcore>, window_params = [{transform_indices = #map}, {transform_indices = #map}, {transform_indices = #map1}, {transform_indices = #map1}, {transform_indices = #map}, {transform_indices = #map}]} {
    %eq3A = arith.constant 0 : i32
    %eq3A_0 = arith.cmpi eq, %arg0, %eq3A : i32
    %convert_element_type3A = arith.extui %eq3A_0 : i1 to i32
    %cond3A = arith.constant 0 : i32
    %cond3A_1 = arith.cmpi ne, %convert_element_type3A, %cond3A : i32
    scf.if %cond3A_1 {
      %mul3A = arith.constant 3200 : i32
      %mul3A_7 = arith.muli %arg1, %mul3A : i32
      "tpu.region"() ({
        %run_scoped3A = tpu.sem_alloc : memref<!tpu.dma_semaphore, #tpu.memory_space<semaphore_mem>>
        %dma_start3A_29 = tpu.memref_slice %arg4[%mul3A_7] : memref<51200xi32, #tpu.memory_space<hbm>> -> memref<3200xi32, #tpu.memory_space<hbm>>
        %dma_start3A_30 = tpu.memref_slice %arg4[%mul3A_7] : memref<51200xi32, #tpu.memory_space<hbm>> -> memref<3200xi32, #tpu.memory_space<hbm>>
        tpu.enqueue_dma source(%dma_start3A_30 : memref<3200xi32, #tpu.memory_space<hbm>>) target(%arg8 : memref<3200xi32, #tpu.memory_space<vmem>>) target_semaphore(%run_scoped3A : memref<!tpu.dma_semaphore, #tpu.memory_space<semaphore_mem>>)
        %dma_wait3A_31 = tpu.memref_slice %arg4[%mul3A_7] : memref<51200xi32, #tpu.memory_space<hbm>> -> memref<3200xi32, #tpu.memory_space<hbm>>
        %dma_wait3A_32 = tpu.memref_slice %arg4[%mul3A_7] : memref<51200xi32, #tpu.memory_space<hbm>> -> memref<3200xi32, #tpu.memory_space<hbm>>
        tpu.wait_dma2 semaphore(%run_scoped3A : memref<!tpu.dma_semaphore, #tpu.memory_space<semaphore_mem>>) src(%dma_wait3A_32 : memref<3200xi32, #tpu.memory_space<hbm>>) dst(%arg8 : memref<3200xi32, #tpu.memory_space<vmem>>)
        tpu.yield
      }) : () -> ()
      %dma_start3A = arith.constant 0 : i32
      %dma_start3A_8 = tpu.memref_slice %arg8[%dma_start3A] : memref<3200xi32, #tpu.memory_space<vmem>> -> memref<80xi32, #tpu.memory_space<vmem>>
      %dma_start3A_9 = arith.constant 0 : i32
      %dma_start3A_10 = arith.constant 0 : i32
      %dma_start3A_11 = tpu.memref_slice %arg2[%dma_start3A_9, %dma_start3A_10] : memref<100000x128xf32, #tpu.memory_space<hbm>> -> memref<100000x128xf32, #tpu.memory_space<hbm>>
      tpu.enqueue_indirect_dma source(%dma_start3A_11 : memref<100000x128xf32, #tpu.memory_space<hbm>>) target(%arg9 : memref<80x128xf32, #tpu.memory_space<vmem>>) offsets(%dma_start3A_8 : memref<80xi32, #tpu.memory_space<vmem>>) semaphore(%arg11 : memref<!tpu.dma_semaphore, #tpu.memory_space<semaphore_mem>>)
      %dma_start3A_12 = arith.constant 80 : i32
      %dma_start3A_13 = tpu.memref_slice %arg8[%dma_start3A_12] : memref<3200xi32, #tpu.memory_space<vmem>> -> memref<80xi32, #tpu.memory_space<vmem>>
      %dma_start3A_14 = arith.constant 0 : i32
      %dma_start3A_15 = arith.constant 0 : i32
      %dma_start3A_16 = tpu.memref_slice %arg2[%dma_start3A_14, %dma_start3A_15] : memref<100000x128xf32, #tpu.memory_space<hbm>> -> memref<100000x128xf32, #tpu.memory_space<hbm>>
      tpu.enqueue_indirect_dma source(%dma_start3A_16 : memref<100000x128xf32, #tpu.memory_space<hbm>>) target(%arg10 : memref<80x128xf32, #tpu.memory_space<vmem>>) offsets(%dma_start3A_13 : memref<80xi32, #tpu.memory_space<vmem>>) semaphore(%arg12 : memref<!tpu.dma_semaphore, #tpu.memory_space<semaphore_mem>>)
      %scan3A = arith.constant 0 : i32
      %scan3A_17 = arith.constant 0 : i32
      %scan3A_18 = arith.constant 20 : i32
      %scan3A_19 = arith.addi %scan3A_17, %scan3A_18 : i32
      %scan3A_20 = arith.constant 1 : i32
      scf.for %scan3A_29 = %scan3A_17 to %scan3A_19 step %scan3A_20  : i32 {
        %mul3A_30 = arith.constant 2 : i32
        %mul3A_31 = arith.muli %mul3A_30, %scan3A_29 : i32
        %mul3A_32 = arith.constant 80 : i32
        %mul3A_33 = arith.muli %mul3A_31, %mul3A_32 : i32
        %dma_wait3A_34 = tpu.memref_slice %arg8[%mul3A_33] : memref<3200xi32, #tpu.memory_space<vmem>> -> memref<80xi32, #tpu.memory_space<vmem>>
        %dma_wait3A_35 = arith.constant 0 : i32
        %dma_wait3A_36 = arith.constant 0 : i32
        %dma_wait3A_37 = tpu.memref_slice %arg2[%dma_wait3A_35, %dma_wait3A_36] : memref<100000x128xf32, #tpu.memory_space<hbm>> -> memref<100000x128xf32, #tpu.memory_space<hbm>>
        tpu.wait_indirect_dma semaphore(%arg11 : memref<!tpu.dma_semaphore, #tpu.memory_space<semaphore_mem>>) src(%dma_wait3A_37 : memref<100000x128xf32, #tpu.memory_space<hbm>>) dst(%arg9 : memref<80x128xf32, #tpu.memory_space<vmem>>)
        %mul3A_38 = arith.constant 80 : i32
        %mul3A_39 = arith.muli %mul3A_31, %mul3A_38 : i32
        %add3A = arith.addi %mul3A_7, %mul3A_39 : i32
        %dma_start3A_40 = arith.constant 0 : i32
        %dma_start3A_41 = tpu.memref_slice %arg6[%add3A, %dma_start3A_40] : memref<51200x128xf32, #tpu.memory_space<hbm>> -> memref<80x128xf32, #tpu.memory_space<hbm>>
        %dma_start3A_42 = arith.constant 0 : i32
        %dma_start3A_43 = tpu.memref_slice %arg6[%add3A, %dma_start3A_42] : memref<51200x128xf32, #tpu.memory_space<hbm>> -> memref<80x128xf32, #tpu.memory_space<hbm>>
        tpu.enqueue_dma source(%arg9 : memref<80x128xf32, #tpu.memory_space<vmem>>) target(%dma_start3A_43 : memref<80x128xf32, #tpu.memory_space<hbm>>) target_semaphore(%arg13 : memref<!tpu.dma_semaphore, #tpu.memory_space<semaphore_mem>>)
        %add3A_44 = arith.constant 1 : i32
        %add3A_45 = arith.addi %mul3A_31, %add3A_44 : i32
        %mul3A_46 = arith.constant 80 : i32
        %mul3A_47 = arith.muli %add3A_45, %mul3A_46 : i32
        %dma_wait3A_48 = tpu.memref_slice %arg8[%mul3A_47] : memref<3200xi32, #tpu.memory_space<vmem>> -> memref<80xi32, #tpu.memory_space<vmem>>
        %dma_wait3A_49 = arith.constant 0 : i32
        %dma_wait3A_50 = arith.constant 0 : i32
        %dma_wait3A_51 = tpu.memref_slice %arg2[%dma_wait3A_49, %dma_wait3A_50] : memref<100000x128xf32, #tpu.memory_space<hbm>> -> memref<100000x128xf32, #tpu.memory_space<hbm>>
        tpu.wait_indirect_dma semaphore(%arg12 : memref<!tpu.dma_semaphore, #tpu.memory_space<semaphore_mem>>) src(%dma_wait3A_51 : memref<100000x128xf32, #tpu.memory_space<hbm>>) dst(%arg10 : memref<80x128xf32, #tpu.memory_space<vmem>>)
        %add3A_52 = arith.constant 1 : i32
        %add3A_53 = arith.addi %mul3A_31, %add3A_52 : i32
        %mul3A_54 = arith.constant 80 : i32
        %mul3A_55 = arith.muli %add3A_53, %mul3A_54 : i32
        %add3A_56 = arith.addi %mul3A_7, %mul3A_55 : i32
        %dma_start3A_57 = arith.constant 0 : i32
        %dma_start3A_58 = tpu.memref_slice %arg6[%add3A_56, %dma_start3A_57] : memref<51200x128xf32, #tpu.memory_space<hbm>> -> memref<80x128xf32, #tpu.memory_space<hbm>>
        %dma_start3A_59 = arith.constant 0 : i32
        %dma_start3A_60 = tpu.memref_slice %arg6[%add3A_56, %dma_start3A_59] : memref<51200x128xf32, #tpu.memory_space<hbm>> -> memref<80x128xf32, #tpu.memory_space<hbm>>
        tpu.enqueue_dma source(%arg10 : memref<80x128xf32, #tpu.memory_space<vmem>>) target(%dma_start3A_60 : memref<80x128xf32, #tpu.memory_space<hbm>>) target_semaphore(%arg14 : memref<!tpu.dma_semaphore, #tpu.memory_space<semaphore_mem>>)
        %add3A_61 = arith.constant 2 : i32
        %add3A_62 = arith.addi %mul3A_31, %add3A_61 : i32
        %lt3A = arith.constant 40 : i32
        %lt3A_63 = arith.cmpi slt, %add3A_62, %lt3A : i32
        %convert_element_type3A_64 = arith.extui %lt3A_63 : i1 to i32
        %cond3A_65 = arith.constant 0 : i32
        %cond3A_66 = arith.cmpi ne, %convert_element_type3A_64, %cond3A_65 : i32
        scf.if %cond3A_66 {
          %dma_wait3A_74 = arith.constant 0 : i32
          %dma_wait3A_75 = tpu.memref_slice %arg6[%mul3A_7, %dma_wait3A_74] : memref<51200x128xf32, #tpu.memory_space<hbm>> -> memref<80x128xf32, #tpu.memory_space<hbm>>
          %dma_wait3A_76 = arith.constant 0 : i32
          %dma_wait3A_77 = tpu.memref_slice %arg6[%mul3A_7, %dma_wait3A_76] : memref<51200x128xf32, #tpu.memory_space<hbm>> -> memref<80x128xf32, #tpu.memory_space<hbm>>
          tpu.wait_dma2 semaphore(%arg13 : memref<!tpu.dma_semaphore, #tpu.memory_space<semaphore_mem>>) src(%arg9 : memref<80x128xf32, #tpu.memory_space<vmem>>) dst(%dma_wait3A_77 : memref<80x128xf32, #tpu.memory_space<hbm>>)
          %add3A_78 = arith.constant 2 : i32
          %add3A_79 = arith.addi %mul3A_31, %add3A_78 : i32
          %mul3A_80 = arith.constant 80 : i32
          %mul3A_81 = arith.muli %add3A_79, %mul3A_80 : i32
          %dma_start3A_82 = tpu.memref_slice %arg8[%mul3A_81] : memref<3200xi32, #tpu.memory_space<vmem>> -> memref<80xi32, #tpu.memory_space<vmem>>
          %dma_start3A_83 = arith.constant 0 : i32
          %dma_start3A_84 = arith.constant 0 : i32
          %dma_start3A_85 = tpu.memref_slice %arg2[%dma_start3A_83, %dma_start3A_84] : memref<100000x128xf32, #tpu.memory_space<hbm>> -> memref<100000x128xf32, #tpu.memory_space<hbm>>
          tpu.enqueue_indirect_dma source(%dma_start3A_85 : memref<100000x128xf32, #tpu.memory_space<hbm>>) target(%arg9 : memref<80x128xf32, #tpu.memory_space<vmem>>) offsets(%dma_start3A_82 : memref<80xi32, #tpu.memory_space<vmem>>) semaphore(%arg11 : memref<!tpu.dma_semaphore, #tpu.memory_space<semaphore_mem>>)
        } else {
        }
        %add3A_67 = arith.constant 3 : i32
        %add3A_68 = arith.addi %mul3A_31, %add3A_67 : i32
        %lt3A_69 = arith.constant 40 : i32
        %lt3A_70 = arith.cmpi slt, %add3A_68, %lt3A_69 : i32
        %convert_element_type3A_71 = arith.extui %lt3A_70 : i1 to i32
        %cond3A_72 = arith.constant 0 : i32
        %cond3A_73 = arith.cmpi ne, %convert_element_type3A_71, %cond3A_72 : i32
        scf.if %cond3A_73 {
          %dma_wait3A_74 = arith.constant 0 : i32
          %dma_wait3A_75 = tpu.memref_slice %arg6[%mul3A_7, %dma_wait3A_74] : memref<51200x128xf32, #tpu.memory_space<hbm>> -> memref<80x128xf32, #tpu.memory_space<hbm>>
          %dma_wait3A_76 = arith.constant 0 : i32
          %dma_wait3A_77 = tpu.memref_slice %arg6[%mul3A_7, %dma_wait3A_76] : memref<51200x128xf32, #tpu.memory_space<hbm>> -> memref<80x128xf32, #tpu.memory_space<hbm>>
          tpu.wait_dma2 semaphore(%arg14 : memref<!tpu.dma_semaphore, #tpu.memory_space<semaphore_mem>>) src(%arg10 : memref<80x128xf32, #tpu.memory_space<vmem>>) dst(%dma_wait3A_77 : memref<80x128xf32, #tpu.memory_space<hbm>>)
          %add3A_78 = arith.constant 3 : i32
          %add3A_79 = arith.addi %mul3A_31, %add3A_78 : i32
          %mul3A_80 = arith.constant 80 : i32
          %mul3A_81 = arith.muli %add3A_79, %mul3A_80 : i32
          %dma_start3A_82 = tpu.memref_slice %arg8[%mul3A_81] : memref<3200xi32, #tpu.memory_space<vmem>> -> memref<80xi32, #tpu.memory_space<vmem>>
          %dma_start3A_83 = arith.constant 0 : i32
          %dma_start3A_84 = arith.constant 0 : i32
          %dma_start3A_85 = tpu.memref_slice %arg2[%dma_start3A_83, %dma_start3A_84] : memref<100000x128xf32, #tpu.memory_space<hbm>> -> memref<100000x128xf32, #tpu.memory_space<hbm>>
          tpu.enqueue_indirect_dma source(%dma_start3A_85 : memref<100000x128xf32, #tpu.memory_space<hbm>>) target(%arg10 : memref<80x128xf32, #tpu.memory_space<vmem>>) offsets(%dma_start3A_82 : memref<80xi32, #tpu.memory_space<vmem>>) semaphore(%arg12 : memref<!tpu.dma_semaphore, #tpu.memory_space<semaphore_mem>>)
        } else {
        }
      }
      %scan3A_21 = arith.constant 20 : i32
      %dma_wait3A = arith.constant 0 : i32
      %dma_wait3A_22 = tpu.memref_slice %arg6[%mul3A_7, %dma_wait3A] : memref<51200x128xf32, #tpu.memory_space<hbm>> -> memref<80x128xf32, #tpu.memory_space<hbm>>
      %dma_wait3A_23 = arith.constant 0 : i32
      %dma_wait3A_24 = tpu.memref_slice %arg6[%mul3A_7, %dma_wait3A_23] : memref<51200x128xf32, #tpu.memory_space<hbm>> -> memref<80x128xf32, #tpu.memory_space<hbm>>
      tpu.wait_dma2 semaphore(%arg13 : memref<!tpu.dma_semaphore, #tpu.memory_space<semaphore_mem>>) src(%arg9 : memref<80x128xf32, #tpu.memory_space<vmem>>) dst(%dma_wait3A_24 : memref<80x128xf32, #tpu.memory_space<hbm>>)
      %dma_wait3A_25 = arith.constant 0 : i32
      %dma_wait3A_26 = tpu.memref_slice %arg6[%mul3A_7, %dma_wait3A_25] : memref<51200x128xf32, #tpu.memory_space<hbm>> -> memref<80x128xf32, #tpu.memory_space<hbm>>
      %dma_wait3A_27 = arith.constant 0 : i32
      %dma_wait3A_28 = tpu.memref_slice %arg6[%mul3A_7, %dma_wait3A_27] : memref<51200x128xf32, #tpu.memory_space<hbm>> -> memref<80x128xf32, #tpu.memory_space<hbm>>
      tpu.wait_dma2 semaphore(%arg14 : memref<!tpu.dma_semaphore, #tpu.memory_space<semaphore_mem>>) src(%arg10 : memref<80x128xf32, #tpu.memory_space<vmem>>) dst(%dma_wait3A_28 : memref<80x128xf32, #tpu.memory_space<hbm>>)
    } else {
    }
    %eq3A_2 = arith.constant 1 : i32
    %eq3A_3 = arith.cmpi eq, %arg0, %eq3A_2 : i32
    %convert_element_type3A_4 = arith.extui %eq3A_3 : i1 to i32
    %cond3A_5 = arith.constant 0 : i32
    %cond3A_6 = arith.cmpi ne, %convert_element_type3A_4, %cond3A_5 : i32
    scf.if %cond3A_6 {
      %mul3A = arith.constant 3200 : i32
      %mul3A_7 = arith.muli %arg1, %mul3A : i32
      "tpu.region"() ({
        %run_scoped3A = tpu.sem_alloc : memref<!tpu.dma_semaphore, #tpu.memory_space<semaphore_mem>>
        %dma_start3A_29 = tpu.memref_slice %arg5[%mul3A_7] : memref<51200xi32, #tpu.memory_space<hbm>> -> memref<3200xi32, #tpu.memory_space<hbm>>
        %dma_start3A_30 = tpu.memref_slice %arg5[%mul3A_7] : memref<51200xi32, #tpu.memory_space<hbm>> -> memref<3200xi32, #tpu.memory_space<hbm>>
        tpu.enqueue_dma source(%dma_start3A_30 : memref<3200xi32, #tpu.memory_space<hbm>>) target(%arg8 : memref<3200xi32, #tpu.memory_space<vmem>>) target_semaphore(%run_scoped3A : memref<!tpu.dma_semaphore, #tpu.memory_space<semaphore_mem>>)
        %dma_wait3A_31 = tpu.memref_slice %arg5[%mul3A_7] : memref<51200xi32, #tpu.memory_space<hbm>> -> memref<3200xi32, #tpu.memory_space<hbm>>
        %dma_wait3A_32 = tpu.memref_slice %arg5[%mul3A_7] : memref<51200xi32, #tpu.memory_space<hbm>> -> memref<3200xi32, #tpu.memory_space<hbm>>
        tpu.wait_dma2 semaphore(%run_scoped3A : memref<!tpu.dma_semaphore, #tpu.memory_space<semaphore_mem>>) src(%dma_wait3A_32 : memref<3200xi32, #tpu.memory_space<hbm>>) dst(%arg8 : memref<3200xi32, #tpu.memory_space<vmem>>)
        tpu.yield
      }) : () -> ()
      %dma_start3A = arith.constant 0 : i32
      %dma_start3A_8 = tpu.memref_slice %arg8[%dma_start3A] : memref<3200xi32, #tpu.memory_space<vmem>> -> memref<80xi32, #tpu.memory_space<vmem>>
      %dma_start3A_9 = arith.constant 0 : i32
      %dma_start3A_10 = arith.constant 0 : i32
      %dma_start3A_11 = tpu.memref_slice %arg3[%dma_start3A_9, %dma_start3A_10] : memref<100000x128xf32, #tpu.memory_space<hbm>> -> memref<100000x128xf32, #tpu.memory_space<hbm>>
      tpu.enqueue_indirect_dma source(%dma_start3A_11 : memref<100000x128xf32, #tpu.memory_space<hbm>>) target(%arg9 : memref<80x128xf32, #tpu.memory_space<vmem>>) offsets(%dma_start3A_8 : memref<80xi32, #tpu.memory_space<vmem>>) semaphore(%arg11 : memref<!tpu.dma_semaphore, #tpu.memory_space<semaphore_mem>>)
      %dma_start3A_12 = arith.constant 80 : i32
      %dma_start3A_13 = tpu.memref_slice %arg8[%dma_start3A_12] : memref<3200xi32, #tpu.memory_space<vmem>> -> memref<80xi32, #tpu.memory_space<vmem>>
      %dma_start3A_14 = arith.constant 0 : i32
      %dma_start3A_15 = arith.constant 0 : i32
      %dma_start3A_16 = tpu.memref_slice %arg3[%dma_start3A_14, %dma_start3A_15] : memref<100000x128xf32, #tpu.memory_space<hbm>> -> memref<100000x128xf32, #tpu.memory_space<hbm>>
      tpu.enqueue_indirect_dma source(%dma_start3A_16 : memref<100000x128xf32, #tpu.memory_space<hbm>>) target(%arg10 : memref<80x128xf32, #tpu.memory_space<vmem>>) offsets(%dma_start3A_13 : memref<80xi32, #tpu.memory_space<vmem>>) semaphore(%arg12 : memref<!tpu.dma_semaphore, #tpu.memory_space<semaphore_mem>>)
      %scan3A = arith.constant 0 : i32
      %scan3A_17 = arith.constant 0 : i32
      %scan3A_18 = arith.constant 20 : i32
      %scan3A_19 = arith.addi %scan3A_17, %scan3A_18 : i32
      %scan3A_20 = arith.constant 1 : i32
      scf.for %scan3A_29 = %scan3A_17 to %scan3A_19 step %scan3A_20  : i32 {
        %mul3A_30 = arith.constant 2 : i32
        %mul3A_31 = arith.muli %mul3A_30, %scan3A_29 : i32
        %mul3A_32 = arith.constant 80 : i32
        %mul3A_33 = arith.muli %mul3A_31, %mul3A_32 : i32
        %dma_wait3A_34 = tpu.memref_slice %arg8[%mul3A_33] : memref<3200xi32, #tpu.memory_space<vmem>> -> memref<80xi32, #tpu.memory_space<vmem>>
        %dma_wait3A_35 = arith.constant 0 : i32
        %dma_wait3A_36 = arith.constant 0 : i32
        %dma_wait3A_37 = tpu.memref_slice %arg3[%dma_wait3A_35, %dma_wait3A_36] : memref<100000x128xf32, #tpu.memory_space<hbm>> -> memref<100000x128xf32, #tpu.memory_space<hbm>>
        tpu.wait_indirect_dma semaphore(%arg11 : memref<!tpu.dma_semaphore, #tpu.memory_space<semaphore_mem>>) src(%dma_wait3A_37 : memref<100000x128xf32, #tpu.memory_space<hbm>>) dst(%arg9 : memref<80x128xf32, #tpu.memory_space<vmem>>)
        %mul3A_38 = arith.constant 80 : i32
        %mul3A_39 = arith.muli %mul3A_31, %mul3A_38 : i32
        %add3A = arith.addi %mul3A_7, %mul3A_39 : i32
        %dma_start3A_40 = arith.constant 0 : i32
        %dma_start3A_41 = tpu.memref_slice %arg7[%add3A, %dma_start3A_40] : memref<51200x128xf32, #tpu.memory_space<hbm>> -> memref<80x128xf32, #tpu.memory_space<hbm>>
        %dma_start3A_42 = arith.constant 0 : i32
        %dma_start3A_43 = tpu.memref_slice %arg7[%add3A, %dma_start3A_42] : memref<51200x128xf32, #tpu.memory_space<hbm>> -> memref<80x128xf32, #tpu.memory_space<hbm>>
        tpu.enqueue_dma source(%arg9 : memref<80x128xf32, #tpu.memory_space<vmem>>) target(%dma_start3A_43 : memref<80x128xf32, #tpu.memory_space<hbm>>) target_semaphore(%arg13 : memref<!tpu.dma_semaphore, #tpu.memory_space<semaphore_mem>>)
        %add3A_44 = arith.constant 1 : i32
        %add3A_45 = arith.addi %mul3A_31, %add3A_44 : i32
        %mul3A_46 = arith.constant 80 : i32
        %mul3A_47 = arith.muli %add3A_45, %mul3A_46 : i32
        %dma_wait3A_48 = tpu.memref_slice %arg8[%mul3A_47] : memref<3200xi32, #tpu.memory_space<vmem>> -> memref<80xi32, #tpu.memory_space<vmem>>
        %dma_wait3A_49 = arith.constant 0 : i32
        %dma_wait3A_50 = arith.constant 0 : i32
        %dma_wait3A_51 = tpu.memref_slice %arg3[%dma_wait3A_49, %dma_wait3A_50] : memref<100000x128xf32, #tpu.memory_space<hbm>> -> memref<100000x128xf32, #tpu.memory_space<hbm>>
        tpu.wait_indirect_dma semaphore(%arg12 : memref<!tpu.dma_semaphore, #tpu.memory_space<semaphore_mem>>) src(%dma_wait3A_51 : memref<100000x128xf32, #tpu.memory_space<hbm>>) dst(%arg10 : memref<80x128xf32, #tpu.memory_space<vmem>>)
        %add3A_52 = arith.constant 1 : i32
        %add3A_53 = arith.addi %mul3A_31, %add3A_52 : i32
        %mul3A_54 = arith.constant 80 : i32
        %mul3A_55 = arith.muli %add3A_53, %mul3A_54 : i32
        %add3A_56 = arith.addi %mul3A_7, %mul3A_55 : i32
        %dma_start3A_57 = arith.constant 0 : i32
        %dma_start3A_58 = tpu.memref_slice %arg7[%add3A_56, %dma_start3A_57] : memref<51200x128xf32, #tpu.memory_space<hbm>> -> memref<80x128xf32, #tpu.memory_space<hbm>>
        %dma_start3A_59 = arith.constant 0 : i32
        %dma_start3A_60 = tpu.memref_slice %arg7[%add3A_56, %dma_start3A_59] : memref<51200x128xf32, #tpu.memory_space<hbm>> -> memref<80x128xf32, #tpu.memory_space<hbm>>
        tpu.enqueue_dma source(%arg10 : memref<80x128xf32, #tpu.memory_space<vmem>>) target(%dma_start3A_60 : memref<80x128xf32, #tpu.memory_space<hbm>>) target_semaphore(%arg14 : memref<!tpu.dma_semaphore, #tpu.memory_space<semaphore_mem>>)
        %add3A_61 = arith.constant 2 : i32
        %add3A_62 = arith.addi %mul3A_31, %add3A_61 : i32
        %lt3A = arith.constant 40 : i32
        %lt3A_63 = arith.cmpi slt, %add3A_62, %lt3A : i32
        %convert_element_type3A_64 = arith.extui %lt3A_63 : i1 to i32
        %cond3A_65 = arith.constant 0 : i32
        %cond3A_66 = arith.cmpi ne, %convert_element_type3A_64, %cond3A_65 : i32
        scf.if %cond3A_66 {
          %dma_wait3A_74 = arith.constant 0 : i32
          %dma_wait3A_75 = tpu.memref_slice %arg7[%mul3A_7, %dma_wait3A_74] : memref<51200x128xf32, #tpu.memory_space<hbm>> -> memref<80x128xf32, #tpu.memory_space<hbm>>
          %dma_wait3A_76 = arith.constant 0 : i32
          %dma_wait3A_77 = tpu.memref_slice %arg7[%mul3A_7, %dma_wait3A_76] : memref<51200x128xf32, #tpu.memory_space<hbm>> -> memref<80x128xf32, #tpu.memory_space<hbm>>
          tpu.wait_dma2 semaphore(%arg13 : memref<!tpu.dma_semaphore, #tpu.memory_space<semaphore_mem>>) src(%arg9 : memref<80x128xf32, #tpu.memory_space<vmem>>) dst(%dma_wait3A_77 : memref<80x128xf32, #tpu.memory_space<hbm>>)
          %add3A_78 = arith.constant 2 : i32
          %add3A_79 = arith.addi %mul3A_31, %add3A_78 : i32
          %mul3A_80 = arith.constant 80 : i32
          %mul3A_81 = arith.muli %add3A_79, %mul3A_80 : i32
          %dma_start3A_82 = tpu.memref_slice %arg8[%mul3A_81] : memref<3200xi32, #tpu.memory_space<vmem>> -> memref<80xi32, #tpu.memory_space<vmem>>
          %dma_start3A_83 = arith.constant 0 : i32
          %dma_start3A_84 = arith.constant 0 : i32
          %dma_start3A_85 = tpu.memref_slice %arg3[%dma_start3A_83, %dma_start3A_84] : memref<100000x128xf32, #tpu.memory_space<hbm>> -> memref<100000x128xf32, #tpu.memory_space<hbm>>
          tpu.enqueue_indirect_dma source(%dma_start3A_85 : memref<100000x128xf32, #tpu.memory_space<hbm>>) target(%arg9 : memref<80x128xf32, #tpu.memory_space<vmem>>) offsets(%dma_start3A_82 : memref<80xi32, #tpu.memory_space<vmem>>) semaphore(%arg11 : memref<!tpu.dma_semaphore, #tpu.memory_space<semaphore_mem>>)
        } else {
        }
        %add3A_67 = arith.constant 3 : i32
        %add3A_68 = arith.addi %mul3A_31, %add3A_67 : i32
        %lt3A_69 = arith.constant 40 : i32
        %lt3A_70 = arith.cmpi slt, %add3A_68, %lt3A_69 : i32
        %convert_element_type3A_71 = arith.extui %lt3A_70 : i1 to i32
        %cond3A_72 = arith.constant 0 : i32
        %cond3A_73 = arith.cmpi ne, %convert_element_type3A_71, %cond3A_72 : i32
        scf.if %cond3A_73 {
          %dma_wait3A_74 = arith.constant 0 : i32
          %dma_wait3A_75 = tpu.memref_slice %arg7[%mul3A_7, %dma_wait3A_74] : memref<51200x128xf32, #tpu.memory_space<hbm>> -> memref<80x128xf32, #tpu.memory_space<hbm>>
          %dma_wait3A_76 = arith.constant 0 : i32
          %dma_wait3A_77 = tpu.memref_slice %arg7[%mul3A_7, %dma_wait3A_76] : memref<51200x128xf32, #tpu.memory_space<hbm>> -> memref<80x128xf32, #tpu.memory_space<hbm>>
          tpu.wait_dma2 semaphore(%arg14 : memref<!tpu.dma_semaphore, #tpu.memory_space<semaphore_mem>>) src(%arg10 : memref<80x128xf32, #tpu.memory_space<vmem>>) dst(%dma_wait3A_77 : memref<80x128xf32, #tpu.memory_space<hbm>>)
          %add3A_78 = arith.constant 3 : i32
          %add3A_79 = arith.addi %mul3A_31, %add3A_78 : i32
          %mul3A_80 = arith.constant 80 : i32
          %mul3A_81 = arith.muli %add3A_79, %mul3A_80 : i32
          %dma_start3A_82 = tpu.memref_slice %arg8[%mul3A_81] : memref<3200xi32, #tpu.memory_space<vmem>> -> memref<80xi32, #tpu.memory_space<vmem>>
          %dma_start3A_83 = arith.constant 0 : i32
          %dma_start3A_84 = arith.constant 0 : i32
          %dma_start3A_85 = tpu.memref_slice %arg3[%dma_start3A_83, %dma_start3A_84] : memref<100000x128xf32, #tpu.memory_space<hbm>> -> memref<100000x128xf32, #tpu.memory_space<hbm>>
          tpu.enqueue_indirect_dma source(%dma_start3A_85 : memref<100000x128xf32, #tpu.memory_space<hbm>>) target(%arg10 : memref<80x128xf32, #tpu.memory_space<vmem>>) offsets(%dma_start3A_82 : memref<80xi32, #tpu.memory_space<vmem>>) semaphore(%arg12 : memref<!tpu.dma_semaphore, #tpu.memory_space<semaphore_mem>>)
        } else {
        }
      }
      %scan3A_21 = arith.constant 20 : i32
      %dma_wait3A = arith.constant 0 : i32
      %dma_wait3A_22 = tpu.memref_slice %arg7[%mul3A_7, %dma_wait3A] : memref<51200x128xf32, #tpu.memory_space<hbm>> -> memref<80x128xf32, #tpu.memory_space<hbm>>
      %dma_wait3A_23 = arith.constant 0 : i32
      %dma_wait3A_24 = tpu.memref_slice %arg7[%mul3A_7, %dma_wait3A_23] : memref<51200x128xf32, #tpu.memory_space<hbm>> -> memref<80x128xf32, #tpu.memory_space<hbm>>
      tpu.wait_dma2 semaphore(%arg13 : memref<!tpu.dma_semaphore, #tpu.memory_space<semaphore_mem>>) src(%arg9 : memref<80x128xf32, #tpu.memory_space<vmem>>) dst(%dma_wait3A_24 : memref<80x128xf32, #tpu.memory_space<hbm>>)
      %dma_wait3A_25 = arith.constant 0 : i32
      %dma_wait3A_26 = tpu.memref_slice %arg7[%mul3A_7, %dma_wait3A_25] : memref<51200x128xf32, #tpu.memory_space<hbm>> -> memref<80x128xf32, #tpu.memory_space<hbm>>
      %dma_wait3A_27 = arith.constant 0 : i32
      %dma_wait3A_28 = tpu.memref_slice %arg7[%mul3A_7, %dma_wait3A_27] : memref<51200x128xf32, #tpu.memory_space<hbm>> -> memref<80x128xf32, #tpu.memory_space<hbm>>
      tpu.wait_dma2 semaphore(%arg14 : memref<!tpu.dma_semaphore, #tpu.memory_space<semaphore_mem>>) src(%arg10 : memref<80x128xf32, #tpu.memory_space<vmem>>) dst(%dma_wait3A_28 : memref<80x128xf32, #tpu.memory_space<hbm>>)
    } else {
    }
    return
  }
}

</mosaic_0001>

<sc_bundles>
// kernel: kernel.3.cloned.1.call-start
scs
__scs_entry_jumppad:
0x0: {  	(pc) =	sbr.rel $0x88, $3  }
0x1: {  	(tag) =	ssettag $0x0;
	lr =	simm.s32 $0x1  }
0x2: {  	[smem:$0x3F9D] =	sst lr;
	_ =	strace $0xD0000000  }
0x3: {  	_ = 	snop  }
0x4: {  	_ = 	snop  }
0x5: {  	_ = 	snop  }
0x6: {  	_ = 	snop  }
0x7: {  	_ = 	snop  }
__scs_overlays_trampoline_lowered:
0x8: {  	[smem:$0x3FAC] =	sst s0  }
0x9: {  	[smem:$0x3FAD] =	sst s1  }
0xa: {  	[smem:$0x3FAE] =	sst s2  }
0xb: {  	[smem:$0x3FAF] =	sst s3  }
0xc: {  	[smem:$0x3FB0] =	sst s4  }
0xd: {  	[smem:$0x3FB1] =	sst s5  }
0xe: {  	[smem:$0x3FB2] =	sst s6  }
0xf: {  	[smem:$0x3FB3] =	sst s7  }
0x10: {  	[smem:$0x3FB4] =	sst s8  }
0x11: {  	[smem:$0x3FB5] =	sst s9;
	s0 =	simm.s32 @!p0 $0x0  }
0x12: {  	s1 =	sld [smem:$0x3F9B];
	s0 =	simm.s32 @p0 $0x1  }
0x13: {  	[smem:$0x3FB6] =	sst s0;
	s0 =	simm.s32 @!p1 $0x0  }
0x14: {  	s2 =	sld [smem:$0x3F9A];
	s0 =	simm.s32 @p1 $0x1  }
0x15: {  	[smem:$0x3FB7] =	sst s0;
	s0 =	simm.s32 @!p2 $0x0  }
0x16: {  	s3 =	sld [smem:$0x3FDB];
	s0 =	simm.s32 @p2 $0x1  }
0x17: {  	s4 =	simm.s32 $0x1BF5;
	[smem:$0x3FB9] =	sst s0  }
0x18: {  	s0 =	sld [smem:$0x3F9C];
	_ =	swait.ge [sflag:s4], $0x0  }
0x19: {  	s7 =	sld [smem:$0x3F9D]  }
0x1a: {  	s8 =	sadd.s32 $0xFFFFE003, lr  }
0x1b: {  	s9 =	sadd.s32 $0xFFFFFEF7, lr;
	s5 =	simm.s32 $0xFFFFFFFF;
	p2 =	slt.u32 s8, $0xFFFFF086  }
0x1c: {  	p1 =	slt.u32 s9, $0xF7A;
	s5 =	simm.s32 @!p2 $0x0  }
0x1d: {  	s5 =	simm.s32 @p1 $0x1;
	p0 =	seq.s32 s7, s2  }
0x1e: {  	s7 =	smul.u32 @!p0 $0xF7A, s2;
	p2 =	seq.s32 @!p0 s5, $0x0  }
0x1f: {  	s9 =	smul.u32 $0xF7A, s1;
	s8 =	simm.s32 @!p0 $0x1BF5;
	p2 =	por !p2, p0  }
0x20: {  	[sflag:s8] =	ssyncset.s32 @!p0 $0xFFFFF086;
	s6 =	sadd.s32 @!p0 s3, s7;
	s7 =	simm.s32 @!p0 $0x108  }
0x21: {  	s3 =	sadd.s32 s3, s9;
	s6 =	sadd.s32 @!p0 $0x88, s6;
	s7 =	simm.s32 @p2 $0x1082  }
0x22: {  	[simem:s7], [sflag:s8] =	dma.local @!p0 [hbm:s6], $0xF7A  }
0x23: {  	s9 =	sor.u32 $0xD0000000, s2;
	s6 =	simm.s32 $0x108;
	_ =	swait.ge @!p0 [sflag:s8], $0x0  }
0x24: {  	s3 =	sadd.s32 $0x88, s3;
	s6 =	simm.s32 @!p1 $0x1082;
	[sflag:s4] =	ssyncset.s32 $0xFFFFF086  }
0x25: {  	[simem:s6], [sflag:s4] =	dma.local [hbm:s3], $0xF7A  }
0x26: {  	[smem:$0x3F9D] =	sst s1;
	(tag) =	ssettag s2;
	_ =	strace s9  }
0x27: {  	s1 =	sld [smem:$0x3FAD]  }
0x28: {  	s2 =	sld [smem:$0x3FAE]  }
0x29: {  	s4 =	sld [smem:$0x3FB0]  }
0x2a: {  	p0 =	seq.s32 s5, $0x0;
	s5 =	sld [smem:$0x3FB1]  }
0x2b: {  	s6 =	sld [smem:$0x3FB2]  }
0x2c: {  	s7 =	sld [smem:$0x3FB3]  }
0x2d: {  	s3 =	simm.s32 $0x108;
	s8 =	sld [smem:$0x3FB4]  }
0x2e: {  	s3 =	simm.s32 @!p0 $0x1082;
	s9 =	sld [smem:$0x3FB5]  }
0x2f: {  	lr =	sadd.s32 s0, s3;
	s0 =	sld [smem:$0x3FAC]  }
0x30: {  	s3 =	sld [smem:$0x3FAF]  }
0x31: {  	[smem:$0x3FB8] =	sst s10  }
0x32: {  	s10 =	sld [smem:$0x3FB6];
	_ =	sdelay $0x3  }
0x33: {  	p0 =	seq.s32 s10, $0x1;
	s10 =	sld [smem:$0x3FB8];
	_ =	sdelay $0x3  }
0x34: {  	[smem:$0x3FB8] =	sst s10  }
0x35: {  	s10 =	sld [smem:$0x3FB7];
	_ =	sdelay $0x3  }
0x36: {  	p1 =	seq.s32 s10, $0x1;
	s10 =	sld [smem:$0x3FB8];
	_ =	sdelay $0x3  }
0x37: {  	[smem:$0x3FB8] =	sst s10  }
0x38: {  	s10 =	sld [smem:$0x3FB9]  }
0x39: {  	_ = 	snop;
	(pc) =	sbr.ind lr, $3  }
0x3a: {  	_ = 	snop  }
0x3b: {  	_ = 	snop  }
0x3c: {  	p2 =	seq.s32 s10, $0x1;
	s10 =	sld [smem:$0x3FB8]  }
0x3d: {  	_ =	shalt  }
0x3e: {  	_ =	shalt  }
0x3f: {  	_ =	shalt  }
0x40: {  	_ =	shalt  }
0x41: {  	_ =	shalt  }
0x42: {  	_ =	shalt  }
0x43: {  	_ =	shalt  }
0x44: {  	_ =	shalt  }
0x45: {  	_ =	shalt  }
0x46: {  	_ =	shalt  }
0x47: {  	_ =	shalt  }
0x48: {  	_ =	shalt  }
0x49: {  	_ =	shalt  }
0x4a: {  	_ =	shalt  }
0x4b: {  	_ =	shalt  }
0x4c: {  	_ =	shalt  }
0x4d: {  	_ =	shalt  }
0x4e: {  	_ =	shalt  }
0x4f: {  	_ =	shalt  }
0x50: {  	_ =	shalt  }
0x51: {  	_ =	shalt  }
0x52: {  	_ =	shalt  }
0x53: {  	_ =	shalt  }
0x54: {  	_ =	shalt  }
0x55: {  	_ =	shalt  }
0x56: {  	_ =	shalt  }
0x57: {  	_ =	shalt  }
0x58: {  	_ =	shalt  }
0x59: {  	_ =	shalt  }
0x5a: {  	_ =	shalt  }
0x5b: {  	_ =	shalt  }
0x5c: {  	_ =	shalt  }
0x5d: {  	_ =	shalt  }
0x5e: {  	_ =	shalt  }
0x5f: {  	_ =	shalt  }
0x60: {  	_ =	shalt  }
0x61: {  	_ =	shalt  }
0x62: {  	_ =	shalt  }
0x63: {  	_ =	shalt  }
0x64: {  	_ =	shalt  }
0x65: {  	_ =	shalt  }
0x66: {  	_ =	shalt  }
0x67: {  	_ =	shalt  }
0x68: {  	_ =	shalt  }
0x69: {  	_ =	shalt  }
0x6a: {  	_ =	shalt  }
0x6b: {  	_ =	shalt  }
0x6c: {  	_ =	shalt  }
0x6d: {  	_ =	shalt  }
0x6e: {  	_ =	shalt  }
0x6f: {  	_ =	shalt  }
0x70: {  	_ =	shalt  }
0x71: {  	_ =	shalt  }
0x72: {  	_ =	shalt  }
0x73: {  	_ =	shalt  }
0x74: {  	_ =	shalt  }
0x75: {  	_ =	shalt  }
0x76: {  	_ =	shalt  }
0x77: {  	_ =	shalt  }
0x78: {  	_ =	shalt  }
0x79: {  	_ =	shalt  }
0x7a: {  	_ =	shalt  }
0x7b: {  	_ =	shalt  }
0x7c: {  	_ =	shalt  }
0x7d: {  	_ =	shalt  }
0x7e: {  	_ =	shalt  }
0x7f: {  	_ =	shalt  }
0x80: {  	_ =	shalt  }
0x81: {  	_ =	shalt  }
0x82: {  	_ =	shalt  }
0x83: {  	_ =	shalt  }
0x84: {  	_ =	shalt  }
0x85: {  	_ =	shalt  }
0x86: {  	_ =	shalt  }
0x87: {  	_ =	shalt  }
.Lfunc_end0:
.L_simem_size_0:
called_computation_lowered:
.L_overlay_start_0:
0x88: {  	s2 =	sld [smem:$0x3FD9]  }
0x89: {  	s3 =	sld [smem:$0x3FFE];
	_ =	sdelay $0x1  }
0x8a: {  	s1 =	srdreg.scid  }
0x8b: {  	s0 =	sand.u32 $0x1, s1  }
0x8c: {  	s14 =	sshll.u32 s0, $0xA;
	s2 =	sadd.s32 s3, s2  }
0x8d: {  	s2 =	sadd.s32 s2, s14  }
0x8e: {  	[smem:$0x3FC4] =	sst s2  }
0x8f: {  	_ = 	snop  }
0x90: {  	s2 =	sld [smem:$0x3FD0];
	_ =	sdelay $0x1  }
0x91: {  	s15 =	sld [smem:$0x3FC9]  }
0x92: {  	s5 =	simm.s32 $0xA;
	s6 =	simm.s32 $0x10;
	s4 =	sld [smem:$0x3FC8]  }
0x93: {  	[smem:s6], [sflag:s5] =	dma.local [hbm:s2], $0x1  }
0x94: {  	_ =	swait.eq [sflag:s5], $0x1  }
0x95: {  	[sflag:s5] =	ssyncset.done $0x0  }
0x96: {  	s16 =	sld [smem:$0x10];
	[sflag:s5] =	ssyncadd.s32 $0xFFFFFFFF  }
0x97: {  	s17 =	sld [smem:$0x11];
	(tm) =	ssettm $0x1  }
0x98: {  	s18 =	sld [smem:$0x3FFB];
	_ =	sdelay $0x3  }
0x99: {  	_ =	strace s18  }
0x9a: {  	s6 =	sld [smem:$0x3FFC];
	_ =	sdelay $0x3  }
0x9b: {  	_ =	strace s6  }
0x9c: {  	s6 =	sld [smem:$0x3FFD];
	_ =	sdelay $0x3  }
0x9d: {  	_ =	strace s6  }
0x9e: {  	_ =	strace $0x8FFFFFFF  }
0x9f: {  	s19 =	sld [smem:$0x3FDB];
	_ =	sdelay $0x1  }
0xa0: {  	s7 =	simm.s32 $_scs_section_size  }
0xa1: {  	s8 =	simm.s32 $_size__tile_overlayer_lowered;
	s9 =	simm.s32 $_tile_overlayer_lowered  }
0xa2: {  	s22 =	simm.s32 $0x1BFF;
	s21 =	sshll.u32 s9, $0x1;
	s6 =	sadd.s32 s7, s19  }
0xa3: {  	s10 =	simm.s32 $0x0;
	s20 =	sshll.u32 s8, $0x1;
	s8 =	sadd.s32 s21, s6  }
0xa4: {  	[timem:s10], [sflag:s22] =	dma.local [hbm:s8], s20  }
0xa5: {  	_ =	swait.ge [sflag:s22], s20  }
0xa6: {  	s7 =	ssub.s32 $0x0, s20;
	[sflag:s22] =	ssyncset.done $0x0  }
0xa7: {  	[sflag:s22] =	ssyncadd.s32 s7;
	_ =	sdelay $0x1  }
0xa8: {  	s23 =	simm.s32 $0x1B8B  }
0xa9: {  	_ =	swait.ge [sflag:s23], $0x1  }
0xaa: {  	[sflag:s23] =	ssyncset.done $0x0  }
0xab: {  	s25 =	simm.s32 $0x1B8E;
	s24 =	sld [smem:$0x3FFE];
	[sflag:s23] =	ssyncadd.s32 $0xFFFFFFFF  }
0xac: {  	s26 =	simm.s32 $execute0_lowered;
	[smem:$0x3FD2] =	sst s25  }
0xad: {  	s8 =	sshll.u32 s26, $0x1;
	_ =	strace $0x80000046;
	[dreg:$0x1] =	wrdreg $0xFFFFFFFF  }
0xae: {  	s28 =	simm.s32 $_size_execute0_lowered;
	s6 =	sadd.s32 s6, s8;
	[dreg:$0x0] =	wrdreg $0x0  }
0xaf: {  	s8 =	sshll.u32 s28, $0x1;
	[dreg:$0x2] =	wrdreg s6  }
0xb0: {  	[dreg:$0x3] =	wrdreg s8  }
0xb1: {  	[dreg:$0x4] =	wrdreg $0xC0  }
0xb2: {  	_ =	task [dreg:s10], $0x5FFFF  }
0xb3: {  	[dreg:$0x1] =	wrdreg $0xFFFFFFFF  }
0xb4: {  	[dreg:$0x0] =	wrdreg $0x60  }
0xb5: {  	[dreg:$0x2] =	wrdreg s15  }
0xb6: {  	[dreg:$0x3] =	wrdreg s4  }
0xb7: {  	[dreg:$0x4] =	wrdreg s24  }
0xb8: {  	[dreg:$0x5] =	wrdreg s16  }
0xb9: {  	[dreg:$0x6] =	wrdreg s17  }
0xba: {  	[dreg:$0x7] =	wrdreg $0x9  }
0xbb: {  	_ =	task.clear_ibuf [dreg:s10], $0x8FFFF;
	_ =	strace $0x90000046  }
0xbc: {  	s29 =	simm.s32 $0x9;
	_ =	strace $0x80000048  }
0xbd: {  	_ =	swait.ge [sflag:s29], $0x1  }
0xbe: {  	[sflag:s29] =	ssyncadd.s32 $0xFFFFFFFF  }
0xbf: {  	_ =	strace $0x90000048  }
0xc0: {  	_ =	sfence  }
0xc1: {  	s30 =	sld [smem:$0x0];
	_ =	sdelay $0x2  }
0xc2: {  	s31 =	sshll.u32 s1, $0xD;
	s1 =	sshrl.u32 s1, $0x2  }
0xc3: {  	s3 =	sand.u32 $0x4000, s31;
	s1 =	sadd.s32 s1, s30  }
0xc4: {  	s0 =	sor.u32 s3, s0;
	s1 =	sshll.u32 s1, $0x11  }
0xc5: {  	s0 =	sor.u32 s1, s0  }
0xc6: {  	s0 =	sadd.s32 $0x8F2B, s0  }
0xc7: {  	[sflag:s0] =	ssyncadd.remote.s32 $0x1  }
0xc8: {  	_ =	sfence.sel $0xFFFF  }
0xc9: {  	[dreg:$0x0] =	wrdreg $0xFFFFFFFF;
	(pc) =	sbr.abs _section_cstart, $3  }
0xca: {  	[dreg:$0x1] =	wrdreg $0xFFFFFFFF  }
0xcb: {  	_ =	task.clear_ibuf [dreg:s10], $0x2FFFF;
	_ =	strace $0x9FFFFFFF  }
0xcc: {  	(tm) =	ssettm $0x7FFFFFFF  }
0xcd: {  	_ =	shalt  }
tec
execute0_lowered:
.L_overlay_start_1:
0x0: {  	(tag) =	ssettag $0x1  }
0x1: {  	s1 =	rddreg [dreg:$0x0]  }
0x2: {  	s2 =	rddreg [dreg:$0x1]  }
0x3: {  	s7 =	rddreg [dreg:$0x2]  }
0x4: {  	s4 =	rddreg [dreg:$0x3]  }
0x5: {  	s5 =	rddreg [dreg:$0x4]  }
0x6: {  	s0 =	rddreg [dreg:$0x5];
	s3 =	stileid.u32  }
0x7: {  	s6 =	simm.s32 $0x0;
	s9 =	srdreg.scid;
	s14 =	simm.s32 $0x5  }
0x8: {  	s15 =	simm.s32 $0x50;
	s16 =	simm.s32 $0xC80;
	s17 =	simm.s32 $0x3480  }
0x9: {  	s18 =	simm.s32 $0x1;
	s19 =	simm.s32 $0x2;
	s20 =	simm.s32 $0x3  }
0xa: {  	s21 =	simm.s32 $0x4;
	s22 =	simm.s32 $0x0;
	s8 =	smul.u32 $0xC80, s3  }
0xb: {  	[smem:$0x7FF] =	sst s6;
	s9 =	sand.u32 $0x1, s9;
	s13 =	smul.u32 $0xC800, s3  }
.Ltmp0:
0xc: {  	_ =	strace $0x80000047;
	s10 =	ssub.s32 $0x2, s9;
	(pc) =	sbr.rel .LBB2_1-.Ltmp0, $4  }
0xd: {  	p0 =	seq.s32 s9, $0x1;
	s8 =	sshrl.u32 s8, $0x3;
	s31 =	sshrl.u32 s10, $0x1  }
0xe: {  	s11 =	sadd.s32 $0xC300, s13;
	s12 =	sadd.s32 s13, s4;
	s8 =	sadd.s32 s8, s7  }
0xf: {  	s10 =	ssub.s32 s10, s31;
	s7 =	sadd.s32 $0x800, s8;
	s8 =	sadd.s32 $0x2200, s8  }
0x10: {  	s9 =	smax.u32 s10, $0x1;
	s10 =	sadd.s32 $0xBE00, s13;
	s13 =	sadd.s32 s13, s5  }
.LBB2_7:
0x11: {  	[tilespmem:s17], [sflag:$0x2] =	stream.indirect.gather [hbm4b:s2+s15], $0x80, s23, s15, $0xb8;
	[tilespmem:$0x5C80] =	vst v63  }
0x12: {  	s23 =	smov.u32 s5  }
.LBB2_8:
0x13: {  	_ =	swait.ge [sflag:s18], $0x2800  }
0x14: {  	[sflag:s18] =	ssyncset.done $0x0  }
0x15: {  	s24 =	sadd.s32 s23, s10;
	[sflag:s18] =	ssyncadd.s32 $0xFFFFD800  }
0x16: {  	[hbm4b:s24+s6] =	stream.linear.scatter [tilespmem:s16], [sflag:$0x3], $0x2800, $0x38;
	[tilespmem:$0x5C80] =	vst v63  }
0x17: {  	_ =	swait.ge [sflag:s19], $0x2800  }
0x18: {  	[sflag:s19] =	ssyncset.done $0x0  }
0x19: {  	s31 =	sadd.s32 s23, s11;
	s22 =	sadd.s32 $0x1, s22;
	[sflag:s19] =	ssyncadd.s32 $0xFFFFD800  }
0x1a: {  	[hbm4b:s31+s6] =	stream.linear.scatter [tilespmem:s17], [sflag:$0x4], $0x2800, $0x38;
	[tilespmem:$0x5C80] =	vst v63  }
0x1b: {  	p1 =	sne.s32 s22, s9;
	_ =	swait.ge [sflag:s20], $0x2800  }
.Ltmp1:
0x1c: {  	[sflag:s20] =	ssyncset.done $0x0;
	(pc) =	sbr.rel @!p1 .LBB2_9-.Ltmp1, $4  }
0x1d: {  	[sflag:s20] =	ssyncadd.s32 $0xFFFFD800  }
0x1e: {  	_ =	swait.ge [sflag:s21], $0x2800  }
0x1f: {  	[sflag:s21] =	ssyncset.done $0x0  }
0x20: {  	[sflag:s21] =	ssyncadd.s32 $0xFFFFD800  }
.LBB2_1:
.Ltmp2:
0x21: {  	(pc) =	sbr.rel @!p0 .LBB2_2-.Ltmp2, $2  }
0x22: {  	_ =	sdelay $0x2  }
0x23: {  	s23 =	simm.s32 $0x0  }
0x24: {  	[tilespmem:s23], [sflag:$0x5] =	stream.linear.gather [hbm4b:s8+s23], $0xC80, $0x38;
	[tilespmem:$0x5C80] =	vst v63  }
0x25: {  	_ =	swait.ge [sflag:s14], $0xC80  }
0x26: {  	[sflag:s14] =	ssyncset.done $0x0  }
0x27: {  	[sflag:s14] =	ssyncadd.s32 $0xFFFFF380  }
0x28: {  	[tilespmem:s16], [sflag:$0x1] =	stream.indirect.gather [hbm4b:s2+s15], $0x80, s23, s15, $0xb8;
	[tilespmem:$0x5C80] =	vst v63  }
0x29: {  	_ = 	snop  }
0x2a: {  	[tilespmem:s17], [sflag:$0x2] =	stream.indirect.gather [hbm4b:s2+s15], $0x80, s15, s15, $0xb8;
	[tilespmem:$0x5C80] =	vst v63  }
0x2b: {  	_ =	swait.ge [sflag:s18], $0x2800  }
0x2c: {  	[sflag:s18] =	ssyncset.done $0x0  }
0x2d: {  	s30 =	sadd.s32 $0x0, s13;
	[sflag:s18] =	ssyncadd.s32 $0xFFFFD800  }
0x2e: {  	[hbm4b:s30+s6] =	stream.linear.scatter [tilespmem:s16], [sflag:$0x3], $0x2800, $0x38;
	[tilespmem:$0x5C80] =	vst v63  }
0x2f: {  	_ =	swait.ge [sflag:s19], $0x2800  }
0x30: {  	[sflag:s19] =	ssyncset.done $0x0  }
0x31: {  	s23 =	sadd.s32 $0x500, s30;
	[sflag:s19] =	ssyncadd.s32 $0xFFFFD800  }
0x32: {  	[hbm4b:s23+s6] =	stream.linear.scatter [tilespmem:s17], [sflag:$0x4], $0x2800, $0x38;
	[tilespmem:$0x5C80] =	vst v63  }
0x33: {  	_ =	swait.ge [sflag:s20], $0x2800  }
0x34: {  	[sflag:s20] =	ssyncset.done $0x0  }
0x35: {  	s31 =	simm.s32 $0xA0;
	[sflag:s20] =	ssyncadd.s32 $0xFFFFD800  }
0x36: {  	[tilespmem:s16], [sflag:$0x1] =	stream.indirect.gather [hbm4b:s2+s15], $0x80, s31, s15, $0xb8;
	[tilespmem:$0x5C80] =	vst v63  }
0x37: {  	_ =	swait.ge [sflag:s21], $0x2800  }
0x38: {  	s24 =	simm.s32 $0xA00;
	[sflag:s21] =	ssyncset.done $0x0  }
0x39: {  	s25 =	simm.s32 $0x190;
	s23 =	simm.s32 $0xF0;
	[sflag:s21] =	ssyncadd.s32 $0xFFFFD800  }
.LBB2_6:
0x3a: {  	[tilespmem:s17], [sflag:$0x2] =	stream.indirect.gather [hbm4b:s2+s15], $0x80, s23, s15, $0xb8;
	[tilespmem:$0x5C80] =	vst v63  }
0x3b: {  	s26 =	smov.u32 s24;
	s23 =	smov.u32 s25  }
0x3c: {  	p1 =	sne.s32 s24, $0xB400;
	s24 =	sadd.s32 $0xA00, s24;
	_ =	swait.ge [sflag:s18], $0x2800  }
0x3d: {  	[sflag:s18] =	ssyncset.done $0x0  }
0x3e: {  	s26 =	sadd.s32 s26, s13;
	[sflag:s18] =	ssyncadd.s32 $0xFFFFD800  }
0x3f: {  	[hbm4b:s26+s6] =	stream.linear.scatter [tilespmem:s16], [sflag:$0x3], $0x2800, $0x38;
	[tilespmem:$0x5C80] =	vst v63  }
0x40: {  	_ =	swait.ge [sflag:s19], $0x2800  }
0x41: {  	[sflag:s19] =	ssyncset.done $0x0  }
0x42: {  	s26 =	sadd.s32 $0x500, s26;
	[sflag:s19] =	ssyncadd.s32 $0xFFFFD800  }
0x43: {  	[hbm4b:s26+s6] =	stream.linear.scatter [tilespmem:s17], [sflag:$0x4], $0x2800, $0x38;
	[tilespmem:$0x5C80] =	vst v63  }
0x44: {  	_ =	swait.ge [sflag:s20], $0x2800  }
0x45: {  	[sflag:s20] =	ssyncset.done $0x0  }
.Ltmp3:
0x46: {  	s26 =	sadd.s32 $0xFFFFFFB0, s25;
	[sflag:s20] =	ssyncadd.s32 $0xFFFFD800;
	(pc) =	sbr.rel @p1 .LBB2_6-.Ltmp3, $4  }
0x47: {  	[tilespmem:s16], [sflag:$0x1] =	stream.indirect.gather [hbm4b:s2+s15], $0x80, s26, s15, $0xb8;
	[tilespmem:$0x5C80] =	vst v63  }
0x48: {  	_ =	swait.ge [sflag:s21], $0x2800  }
0x49: {  	[sflag:s21] =	ssyncset.done $0x0  }
0x4a: {  	s25 =	sadd.s32 $0xA0, s25;
	[sflag:s21] =	ssyncadd.s32 $0xFFFFD800  }
.Ltmp4:
0x4b: {  	_ = 	snop;
	(pc) =	sbr.rel .LBB2_7-.Ltmp4, $1  }
0x4c: {  	_ =	sdelay $0x3  }
.LBB2_2:
0x4d: {  	[tilespmem:s23], [sflag:$0x5] =	stream.linear.gather [hbm4b:s7+s23], $0xC80, $0x38;
	[tilespmem:$0x5C80] =	vst v63  }
0x4e: {  	_ =	swait.ge [sflag:s14], $0xC80  }
0x4f: {  	[sflag:s14] =	ssyncset.done $0x0  }
0x50: {  	[sflag:s14] =	ssyncadd.s32 $0xFFFFF380  }
0x51: {  	[tilespmem:s16], [sflag:$0x1] =	stream.indirect.gather [hbm4b:s1+s15], $0x80, s23, s15, $0xb8;
	[tilespmem:$0x5C80] =	vst v63  }
0x52: {  	_ = 	snop  }
0x53: {  	[tilespmem:s17], [sflag:$0x2] =	stream.indirect.gather [hbm4b:s1+s15], $0x80, s15, s15, $0xb8;
	[tilespmem:$0x5C80] =	vst v63  }
0x54: {  	_ =	swait.ge [sflag:s18], $0x2800  }
0x55: {  	[sflag:s18] =	ssyncset.done $0x0  }
0x56: {  	s30 =	sadd.s32 $0x0, s12;
	[sflag:s18] =	ssyncadd.s32 $0xFFFFD800  }
0x57: {  	[hbm4b:s30+s6] =	stream.linear.scatter [tilespmem:s16], [sflag:$0x3], $0x2800, $0x38;
	[tilespmem:$0x5C80] =	vst v63  }
0x58: {  	_ =	swait.ge [sflag:s19], $0x2800  }
0x59: {  	[sflag:s19] =	ssyncset.done $0x0  }
0x5a: {  	s23 =	sadd.s32 $0x500, s30;
	[sflag:s19] =	ssyncadd.s32 $0xFFFFD800  }
0x5b: {  	[hbm4b:s23+s6] =	stream.linear.scatter [tilespmem:s17], [sflag:$0x4], $0x2800, $0x38;
	[tilespmem:$0x5C80] =	vst v63  }
0x5c: {  	_ =	swait.ge [sflag:s20], $0x2800  }
0x5d: {  	[sflag:s20] =	ssyncset.done $0x0  }
0x5e: {  	s31 =	simm.s32 $0xA0;
	[sflag:s20] =	ssyncadd.s32 $0xFFFFD800  }
0x5f: {  	[tilespmem:s16], [sflag:$0x1] =	stream.indirect.gather [hbm4b:s1+s15], $0x80, s31, s15, $0xb8;
	[tilespmem:$0x5C80] =	vst v63  }
0x60: {  	_ =	swait.ge [sflag:s21], $0x2800  }
0x61: {  	s24 =	simm.s32 $0xA00;
	[sflag:s21] =	ssyncset.done $0x0  }
0x62: {  	s25 =	simm.s32 $0x190;
	s23 =	simm.s32 $0xF0;
	[sflag:s21] =	ssyncadd.s32 $0xFFFFD800  }
.LBB2_3:
0x63: {  	[tilespmem:s17], [sflag:$0x2] =	stream.indirect.gather [hbm4b:s1+s15], $0x80, s23, s15, $0xb8;
	[tilespmem:$0x5C80] =	vst v63  }
0x64: {  	s26 =	smov.u32 s24;
	s23 =	smov.u32 s25  }
0x65: {  	p1 =	seq.s32 s24, $0xB400;
	s24 =	sadd.s32 $0xA00, s24;
	_ =	swait.ge [sflag:s18], $0x2800  }
0x66: {  	[sflag:s18] =	ssyncset.done $0x0  }
0x67: {  	s26 =	sadd.s32 s26, s12;
	[sflag:s18] =	ssyncadd.s32 $0xFFFFD800  }
0x68: {  	[hbm4b:s26+s6] =	stream.linear.scatter [tilespmem:s16], [sflag:$0x3], $0x2800, $0x38;
	[tilespmem:$0x5C80] =	vst v63  }
0x69: {  	_ =	swait.ge [sflag:s19], $0x2800  }
0x6a: {  	[sflag:s19] =	ssyncset.done $0x0  }
0x6b: {  	s26 =	sadd.s32 $0x500, s26;
	[sflag:s19] =	ssyncadd.s32 $0xFFFFD800  }
0x6c: {  	[hbm4b:s26+s6] =	stream.linear.scatter [tilespmem:s17], [sflag:$0x4], $0x2800, $0x38;
	[tilespmem:$0x5C80] =	vst v63  }
0x6d: {  	_ =	swait.ge [sflag:s20], $0x2800  }
0x6e: {  	[sflag:s20] =	ssyncset.done $0x0  }
.Ltmp5:
0x6f: {  	s26 =	sadd.s32 $0xFFFFFFB0, s25;
	[sflag:s20] =	ssyncadd.s32 $0xFFFFD800;
	(pc) =	sbr.rel @!p1 .LBB2_3-.Ltmp5, $4  }
0x70: {  	[tilespmem:s16], [sflag:$0x1] =	stream.indirect.gather [hbm4b:s1+s15], $0x80, s26, s15, $0xb8;
	[tilespmem:$0x5C80] =	vst v63  }
0x71: {  	_ =	swait.ge [sflag:s21], $0x2800  }
0x72: {  	[sflag:s21] =	ssyncset.done $0x0  }
0x73: {  	s25 =	sadd.s32 $0xA0, s25;
	[sflag:s21] =	ssyncadd.s32 $0xFFFFD800  }
.Ltmp6:
0x74: {  	(pc) =	sbr.rel .LBB2_8-.Ltmp6, $3  }
0x75: {  	_ =	sdelay $0x1  }
0x76: {  	[tilespmem:s17], [sflag:$0x2] =	stream.indirect.gather [hbm4b:s1+s15], $0x80, s23, s15, $0xb8;
	[tilespmem:$0x5C80] =	vst v63  }
0x77: {  	s23 =	smov.u32 s4  }
.LBB2_9:
0x78: {  	_ =	sfence.sel $0x180000  }
0x79: {  	[bflag:$0x0] =	sbarrier.arrive $0xFFFF  }
0x7a: {  	p0 =	sne.s32 s3, $0x0;
	_ =	strace $0x90000047  }
0x7b: {  	s0 =	sadd.s32 @!p0 $0x100000, s0;
	[bflag:$0x2] =	sbarrier.arrive $0xFFFF  }
0x7c: {  	[sflag:s0] =	ssyncadd.tile.s32 @!p0 $0x1;
	_ =	shalt  }
.Lfunc_end2:
_tile_overlayer_lowered:
.L_overlay_start_2:
0x7d: {  	(tag) =	ssettag $0x2  }
0x7e: {  	s0 =	rddreg [dreg:$0x0];
	s2 =	stileid.u32  }
0x7f: {  	s1 =	rddreg [dreg:$0x1];
	p0 =	sne.s32 s2, $0x0  }
0x80: {  	s3 =	rddreg [dreg:$0x2];
	[bflag:$0x3] =	sbarrier.arrive $0xFFFF;
	s2 =	simm.s32 @!p0 $0x1C05  }
0x81: {  	[timem:s3], [sflag:s2] =	dma.local @!p0 [hbm:s0], s1  }
0x82: {  	s0 =	simm.s32 @!p0 $0x5  }
0x83: {  	_ =	swait.ge @!p0 [sflag:s0], s1  }
0x84: {  	s1 =	ssub.s32 @!p0 $0x0, s1;
	[sflag:s0] =	ssyncset.done @!p0 $0x0  }
0x85: {  	[sflag:s0] =	ssyncadd.s32 @!p0 s1  }
0x86: {  	[bflag:$0x3] =	sbarrier.arrive $0xFFFF  }
0x87: {  	_ =	shalt  }

</sc_bundles>
